<compile_context>
chip_gen: v7x
topology: tpu7x:2x2x1
jax: 0.10.2.dev20260603
libtpu: 0.0.44.dev20260713+nightly
codegen_flags: <defaults>
</compile_context>

<pallas_src>
import functools

import jax
import jax.numpy as jnp
from jax import lax
from jax.experimental import pallas as pl
from jax.experimental.pallas import tpu as pltpu
from jax.experimental.pallas import tpu_sc as plsc

_EPS = 1e-5



def _make_sc_gather(F, B, V, E):
    info = plsc.get_sparse_core_info()
    nw = info.num_cores * info.num_subcores
    nb = B // nw
    assert B % nw == 0 and nb % 8 == 0
    mesh = plsc.VectorSubcoreMesh(core_axis_name="c", subcore_axis_name="s")

    @functools.partial(
        pl.kernel,
        out_type=jax.ShapeDtypeStruct((B, F * E), jnp.float32),
        mesh=mesh,
        scratch_types=[
            pltpu.VMEM((nb,), jnp.int32),
            pltpu.VMEM((nb, E), jnp.float32),
            pltpu.SemaphoreType.DMA,
        ],
        compiler_params=pltpu.CompilerParams(use_tc_tiling_on_sc=False),
    )
    def sc_gather(tab_hbm, idx_hbm, out_hbm, idx_v, rows_v, sem):
        wid = lax.axis_index("s") * info.num_cores + lax.axis_index("c")
        b0 = wid * nb

        @pl.loop(0, F)
        def _(f):
            pltpu.sync_copy(idx_hbm.at[f, pl.ds(b0, nb)], idx_v)
            pltpu.async_copy(tab_hbm.at[f].at[idx_v], rows_v, sem).wait()
            pltpu.sync_copy(rows_v, out_hbm.at[pl.ds(b0, nb), pl.ds(f * E, E)])

    return sc_gather



def _p1_body(num_ref, Wn_ref, bn_ref, emb_ref, Wc_ref, bc_ref,
             yn_ref, yc_ref, sn_ref, qn_ref, sc_ref, qc_ref):
    i = pl.program_id(0)
    yn = jnp.dot(num_ref[...], Wn_ref[...],
                 preferred_element_type=jnp.float32) + bn_ref[...]
    yc = jnp.dot(emb_ref[...], Wc_ref[...],
                 preferred_element_type=jnp.float32) + bc_ref[...]
    yn_ref[...] = yn
    yc_ref[...] = yc
    sn = yn.sum(axis=0, keepdims=True)
    qn = (yn * yn).sum(axis=0, keepdims=True)
    sc = yc.sum(axis=0, keepdims=True)
    qc = (yc * yc).sum(axis=0, keepdims=True)

    @pl.when(i == 0)
    def _():
        sn_ref[...] = sn
        qn_ref[...] = qn
        sc_ref[...] = sc
        qc_ref[...] = qc

    @pl.when(i > 0)
    def _():
        sn_ref[...] += sn
        qn_ref[...] += qn
        sc_ref[...] += sc
        qc_ref[...] += qc


def _p2_body(B, yn_ref, yc_ref, sn_ref, qn_ref, sc_ref, qc_ref,
             gn_ref, ben_ref, gc_ref, bec_ref, W1n_ref, W1c_ref, b1_ref,
             z_ref, sz_ref, qz_ref):
    i = pl.program_id(0)
    inv_b = 1.0 / B
    mn = sn_ref[...] * inv_b
    vn = qn_ref[...] * inv_b - mn * mn
    an = lax.rsqrt(vn + _EPS) * gn_ref[...]
    hn = jnp.maximum((yn_ref[...] - mn) * an + ben_ref[...], 0.0)
    mc = sc_ref[...] * inv_b
    vc = qc_ref[...] * inv_b - mc * mc
    ac = lax.rsqrt(vc + _EPS) * gc_ref[...]
    hc = jnp.maximum((yc_ref[...] - mc) * ac + bec_ref[...], 0.0)
    z = (jnp.dot(hn, W1n_ref[...], preferred_element_type=jnp.float32)
         + jnp.dot(hc, W1c_ref[...], preferred_element_type=jnp.float32)
         + b1_ref[...])
    z_ref[...] = z
    sz = z.sum(axis=0, keepdims=True)
    qz = (z * z).sum(axis=0, keepdims=True)

    @pl.when(i == 0)
    def _():
        sz_ref[...] = sz
        qz_ref[...] = qz

    @pl.when(i > 0)
    def _():
        sz_ref[...] += sz
        qz_ref[...] += qz


def _p3_body(B, z_ref, sz_ref, qz_ref, g1_ref, be1_ref, W2_ref, b2_ref,
             out_ref):
    inv_b = 1.0 / B
    m = sz_ref[...] * inv_b
    v = qz_ref[...] * inv_b - m * m
    a = lax.rsqrt(v + _EPS) * g1_ref[...]
    h = jnp.maximum((z_ref[...] - m) * a + be1_ref[...], 0.0)
    out_ref[...] = (jnp.dot(h, W2_ref[...], preferred_element_type=jnp.float32)
                    + b2_ref[...])


def kernel(idx, numerical_data, tables, W_num, b_num, g_num, be_num,
           W_cat, b_cat, g_cat, be_cat, W1, b1, g1, be1, W2, b2):
    F, B = idx.shape
    _, V, E = tables.shape
    ND = numerical_data.shape[1]
    D_cat = F * E
    H_num = W_num.shape[1]
    H_cat = W_cat.shape[1]
    H1 = W1.shape[1]
    NC = W2.shape[1]

    emb = _make_sc_gather(F, B, V, E)(tables, idx)

    TB = 1024
    grid = (B // TB,)

    row = lambda x: x.reshape(1, -1)
    const = lambda shape: pl.BlockSpec(shape, lambda i: (0, 0))
    tile = lambda d: pl.BlockSpec((TB, d), lambda i: (i, 0))

    yn, yc, sn, qn, sc, qc = pl.pallas_call(
        _p1_body,
        grid=grid,
        in_specs=[tile(ND), const((ND, H_num)), const((1, H_num)),
                  tile(D_cat), const((D_cat, H_cat)), const((1, H_cat))],
        out_specs=[tile(H_num), tile(H_cat),
                   const((1, H_num)), const((1, H_num)),
                   const((1, H_cat)), const((1, H_cat))],
        out_shape=[
            jax.ShapeDtypeStruct((B, H_num), jnp.float32),
            jax.ShapeDtypeStruct((B, H_cat), jnp.float32),
            jax.ShapeDtypeStruct((1, H_num), jnp.float32),
            jax.ShapeDtypeStruct((1, H_num), jnp.float32),
            jax.ShapeDtypeStruct((1, H_cat), jnp.float32),
            jax.ShapeDtypeStruct((1, H_cat), jnp.float32),
        ],
    )(numerical_data, W_num, row(b_num), emb, W_cat, row(b_cat))

    z, sz, qz = pl.pallas_call(
        functools.partial(_p2_body, B),
        grid=grid,
        in_specs=[tile(H_num), tile(H_cat),
                  const((1, H_num)), const((1, H_num)),
                  const((1, H_cat)), const((1, H_cat)),
                  const((1, H_num)), const((1, H_num)),
                  const((1, H_cat)), const((1, H_cat)),
                  const((H_num, H1)), const((H_cat, H1)), const((1, H1))],
        out_specs=[tile(H1), const((1, H1)), const((1, H1))],
        out_shape=[
            jax.ShapeDtypeStruct((B, H1), jnp.float32),
            jax.ShapeDtypeStruct((1, H1), jnp.float32),
            jax.ShapeDtypeStruct((1, H1), jnp.float32),
        ],
    )(yn, yc, sn, qn, sc, qc, row(g_num), row(be_num), row(g_cat),
      row(be_cat), W1[:H_num], W1[H_num:], row(b1))

    out = pl.pallas_call(
        functools.partial(_p3_body, B),
        grid=grid,
        in_specs=[tile(H1), const((1, H1)), const((1, H1)),
                  const((1, H1)), const((1, H1)),
                  const((H1, NC)), const((1, NC))],
        out_specs=tile(NC),
        out_shape=jax.ShapeDtypeStruct((B, NC), jnp.float32),
    )(z, sz, qz, row(g1), row(be1), W2, row(b2))

    return out

# --- scband reference (transcript-rebuilt; emitter-appended) ---
"""Pipeline reference for scband-simple-tree-health-model-52553219834320 (READ-ONLY COPY).

The authoritative reference and input builder live on the scoring server;
editing this copy changes nothing except your own understanding.
"""

import jax, jax.numpy as jnp
import numpy as np

B = 16384; F = 26; V = 100000; E = 32; ND = 13; NC = 4

def _bn(x, g, b, eps=1e-5):
    m = x.mean(axis=0)
    v = x.var(axis=0)
    return g * (x - m) / jnp.sqrt(v + eps) + b

def setup_inputs(seed: int = 0) -> dict:
    key = jax.random.key(seed)
    ks = jax.random.split(key, 12)
    D_cat = F * E  # 832
    inp = {}
    inp["idx"] = jax.random.randint(ks[0], (F, B), 0, V)  # stacked categorical fields f0..f25
    inp["numerical_data"] = jax.random.normal(ks[1], (B, ND), dtype=jnp.float32)
    inp["tables"] = jax.random.normal(ks[2], (F, V, E), dtype=jnp.float32) * 0.02  # one table per field
    inp["W_num"] = jax.random.normal(ks[3], (ND, 64), dtype=jnp.float32) * 0.1
    inp["b_num"] = jnp.zeros((64,), jnp.float32)
    inp["g_num"] = jnp.ones((64,), jnp.float32)
    inp["be_num"] = jnp.zeros((64,), jnp.float32)
    inp["W_cat"] = jax.random.normal(ks[4], (D_cat, 1024), dtype=jnp.float32) * 0.03
    inp["b_cat"] = jnp.zeros((1024,), jnp.float32)
    inp["g_cat"] = jnp.ones((1024,), jnp.float32)
    inp["be_cat"] = jnp.zeros((1024,), jnp.float32)
    inp["W1"] = jax.random.normal(ks[5], (1024 + 64, 512), dtype=jnp.float32) * 0.03
    inp["b1"] = jnp.zeros((512,), jnp.float32)
    inp["g1"] = jnp.ones((512,), jnp.float32)
    inp["be1"] = jnp.zeros((512,), jnp.float32)
    inp["W2"] = jax.random.normal(ks[6], (512, NC), dtype=jnp.float32) * 0.05
    inp["b2"] = jnp.zeros((NC,), jnp.float32)
    return inp

def reference(idx, numerical_data, tables, W_num, b_num, g_num, be_num, W_cat, b_cat, g_cat, be_cat, W1, b1, g1, be1, W2, b2):
    # numerical branch: Linear -> BatchNorm1d (batch stats) -> ReLU (dropout = identity)
    num_h = jax.nn.relu(_bn(numerical_data @ W_num + b_num, g_num, be_num))
    # categorical branch: per-field embedding lookup, concat along feature dim
    emb = jax.vmap(lambda t, i: jnp.take(t, i, axis=0))(tables, idx)  # [F, B, E]
    emb = jnp.transpose(emb, (1, 0, 2)).reshape(numerical_data.shape[0], F * E)  # [B, F*E]
    cat_h = jax.nn.relu(_bn(emb @ W_cat + b_cat, g_cat, be_cat))
    comb = jnp.concatenate([num_h, cat_h], axis=1)  # [B, 64+1024]
    h = jax.nn.relu(_bn(comb @ W1 + b1, g1, be1))
    return h @ W2 + b2

if __name__ == "__main__":
    import jax
    _d = setup_inputs()
    print(jax.jit(kernel)(*tuple(_d.values())))

</pallas_src>

<mosaic_0001>
#map = affine_map<(d0, d1) -> (0, 0, 0)>
#map1 = affine_map<(d0, d1) -> (0, 0)>
module attributes {stable_mosaic.version = 14 : i64} {
  func.func @sc_gather(%arg0: i32, %arg1: i32, %arg2: memref<26x100000x32xf32, #tpu.memory_space<hbm>>, %arg3: memref<26x16384xi32, #tpu.memory_space<hbm>>, %arg4: memref<16384x832xf32, #tpu.memory_space<hbm>>, %arg5: memref<512xi32, #tpu.memory_space<vmem>>, %arg6: memref<512x32xf32, #tpu.memory_space<vmem>>, %arg7: memref<!tpu.dma_semaphore, #tpu.memory_space<semaphore_mem>>) attributes {dimension_semantics = [#tpu.dimension_semantics<core_parallel>, #tpu.dimension_semantics<subcore_parallel>], iteration_bounds = array<i64: 2, 16>, scalar_prefetch = 0 : i64, scratch_operands = 3 : i64, tpu.core_type = #tpu.core_type<sc_vector_subcore>, window_params = [{transform_indices = #map}, {transform_indices = #map1}, {transform_indices = #map1}]} {
    %mul3A = arith.constant 2 : i32
    %mul3A_0 = arith.muli %arg1, %mul3A : i32
    %add3A = arith.addi %mul3A_0, %arg0 : i32
    %mul3A_1 = arith.constant 512 : i32
    %mul3A_2 = arith.muli %add3A, %mul3A_1 : i32
    %scan3A = arith.constant 0 : i32
    %scan3A_3 = arith.constant 26 : i32
    %scan3A_4 = arith.addi %scan3A, %scan3A_3 : i32
    %scan3A_5 = arith.constant 1 : i32
    scf.for %scan3A_7 = %scan3A to %scan3A_4 step %scan3A_5  : i32 {
      %mul3A_8 = arith.constant 1 : i32
      %mul3A_9 = arith.muli %scan3A_7, %mul3A_8 : i32
      %add3A_10 = arith.constant 0 : i32
      %add3A_11 = arith.addi %add3A_10, %mul3A_9 : i32
      "tpu.region"() ({
        %run_scoped3A = tpu.sem_alloc : memref<!tpu.dma_semaphore, #tpu.memory_space<semaphore_mem>>
        %dma_start3A_26 = tpu.memref_slice %arg3[%add3A_11, %mul3A_2] : memref<26x16384xi32, #tpu.memory_space<hbm>> -> memref<1x512xi32, #tpu.memory_space<hbm>>
        %dma_start3A_27 = tpu.memref_squeeze %dma_start3A_26 : memref<1x512xi32, #tpu.memory_space<hbm>> -> memref<512xi32, #tpu.memory_space<hbm>>
        %dma_start3A_28 = tpu.memref_slice %arg3[%add3A_11, %mul3A_2] : memref<26x16384xi32, #tpu.memory_space<hbm>> -> memref<1x512xi32, #tpu.memory_space<hbm>>
        %dma_start3A_29 = tpu.memref_squeeze %dma_start3A_28 : memref<1x512xi32, #tpu.memory_space<hbm>> -> memref<512xi32, #tpu.memory_space<hbm>>
        tpu.enqueue_dma source(%dma_start3A_29 : memref<512xi32, #tpu.memory_space<hbm>>) target(%arg5 : memref<512xi32, #tpu.memory_space<vmem>>) target_semaphore(%run_scoped3A : memref<!tpu.dma_semaphore, #tpu.memory_space<semaphore_mem>>)
        %dma_wait3A_30 = tpu.memref_slice %arg3[%add3A_11, %mul3A_2] : memref<26x16384xi32, #tpu.memory_space<hbm>> -> memref<1x512xi32, #tpu.memory_space<hbm>>
        %dma_wait3A_31 = tpu.memref_squeeze %dma_wait3A_30 : memref<1x512xi32, #tpu.memory_space<hbm>> -> memref<512xi32, #tpu.memory_space<hbm>>
        %dma_wait3A_32 = tpu.memref_slice %arg3[%add3A_11, %mul3A_2] : memref<26x16384xi32, #tpu.memory_space<hbm>> -> memref<1x512xi32, #tpu.memory_space<hbm>>
        %dma_wait3A_33 = tpu.memref_squeeze %dma_wait3A_32 : memref<1x512xi32, #tpu.memory_space<hbm>> -> memref<512xi32, #tpu.memory_space<hbm>>
        tpu.wait_dma2 semaphore(%run_scoped3A : memref<!tpu.dma_semaphore, #tpu.memory_space<semaphore_mem>>) src(%dma_wait3A_33 : memref<512xi32, #tpu.memory_space<hbm>>) dst(%arg5 : memref<512xi32, #tpu.memory_space<vmem>>)
        tpu.yield
      }) : () -> ()
      %dma_start3A = arith.constant 0 : i32
      %dma_start3A_12 = arith.constant 0 : i32
      %dma_start3A_13 = tpu.memref_slice %arg2[%add3A_11, %dma_start3A, %dma_start3A_12] : memref<26x100000x32xf32, #tpu.memory_space<hbm>> -> memref<1x100000x32xf32, #tpu.memory_space<hbm>>
      %dma_start3A_14 = tpu.memref_squeeze %dma_start3A_13 : memref<1x100000x32xf32, #tpu.memory_space<hbm>> -> memref<100000x32xf32, #tpu.memory_space<hbm>>
      %dma_start3A_15 = arith.constant 0 : i32
      %dma_start3A_16 = arith.constant 0 : i32
      %dma_start3A_17 = tpu.memref_slice %dma_start3A_14[%dma_start3A_15, %dma_start3A_16] : memref<100000x32xf32, #tpu.memory_space<hbm>> -> memref<100000x32xf32, #tpu.memory_space<hbm>>
      tpu.enqueue_indirect_dma source(%dma_start3A_17 : memref<100000x32xf32, #tpu.memory_space<hbm>>) target(%arg6 : memref<512x32xf32, #tpu.memory_space<vmem>>) offsets(%arg5 : memref<512xi32, #tpu.memory_space<vmem>>) semaphore(%arg7 : memref<!tpu.dma_semaphore, #tpu.memory_space<semaphore_mem>>)
      %dma_wait3A = arith.constant 0 : i32
      %dma_wait3A_18 = arith.constant 0 : i32
      %dma_wait3A_19 = tpu.memref_slice %arg2[%add3A_11, %dma_wait3A, %dma_wait3A_18] : memref<26x100000x32xf32, #tpu.memory_space<hbm>> -> memref<1x100000x32xf32, #tpu.memory_space<hbm>>
      %dma_wait3A_20 = tpu.memref_squeeze %dma_wait3A_19 : memref<1x100000x32xf32, #tpu.memory_space<hbm>> -> memref<100000x32xf32, #tpu.memory_space<hbm>>
      %dma_wait3A_21 = arith.constant 0 : i32
      %dma_wait3A_22 = arith.constant 0 : i32
      %dma_wait3A_23 = tpu.memref_slice %dma_wait3A_20[%dma_wait3A_21, %dma_wait3A_22] : memref<100000x32xf32, #tpu.memory_space<hbm>> -> memref<100000x32xf32, #tpu.memory_space<hbm>>
      tpu.wait_indirect_dma semaphore(%arg7 : memref<!tpu.dma_semaphore, #tpu.memory_space<semaphore_mem>>) src(%dma_wait3A_23 : memref<100000x32xf32, #tpu.memory_space<hbm>>) dst(%arg6 : memref<512x32xf32, #tpu.memory_space<vmem>>)
      %mul3A_24 = arith.constant 32 : i32
      %mul3A_25 = arith.muli %add3A_11, %mul3A_24 : i32
      "tpu.region"() ({
        %run_scoped3A = tpu.sem_alloc : memref<!tpu.dma_semaphore, #tpu.memory_space<semaphore_mem>>
        %dma_start3A_26 = tpu.memref_slice %arg4[%mul3A_2, %mul3A_25] : memref<16384x832xf32, #tpu.memory_space<hbm>> -> memref<512x32xf32, #tpu.memory_space<hbm>>
        %dma_start3A_27 = tpu.memref_slice %arg4[%mul3A_2, %mul3A_25] : memref<16384x832xf32, #tpu.memory_space<hbm>> -> memref<512x32xf32, #tpu.memory_space<hbm>>
        tpu.enqueue_dma source(%arg6 : memref<512x32xf32, #tpu.memory_space<vmem>>) target(%dma_start3A_27 : memref<512x32xf32, #tpu.memory_space<hbm>>) target_semaphore(%run_scoped3A : memref<!tpu.dma_semaphore, #tpu.memory_space<semaphore_mem>>)
        %dma_wait3A_28 = tpu.memref_slice %arg4[%mul3A_2, %mul3A_25] : memref<16384x832xf32, #tpu.memory_space<hbm>> -> memref<512x32xf32, #tpu.memory_space<hbm>>
        %dma_wait3A_29 = tpu.memref_slice %arg4[%mul3A_2, %mul3A_25] : memref<16384x832xf32, #tpu.memory_space<hbm>> -> memref<512x32xf32, #tpu.memory_space<hbm>>
        tpu.wait_dma2 semaphore(%run_scoped3A : memref<!tpu.dma_semaphore, #tpu.memory_space<semaphore_mem>>) src(%arg6 : memref<512x32xf32, #tpu.memory_space<vmem>>) dst(%dma_wait3A_29 : memref<512x32xf32, #tpu.memory_space<hbm>>)
        tpu.yield
      }) : () -> ()
    }
    %scan3A_6 = arith.constant 26 : i32
    return
  }
}

module attributes {stable_mosaic.version = 14 : i64} {
  func.func @_p1_body(%arg0: i32, %arg1: memref<1024x13xf32, #tpu.memory_space<vmem>>, %arg2: memref<13x64xf32, #tpu.memory_space<vmem>>, %arg3: memref<1x64xf32, #tpu.memory_space<vmem>>, %arg4: memref<1024x832xf32, #tpu.memory_space<vmem>>, %arg5: memref<832x1024xf32, #tpu.memory_space<vmem>>, %arg6: memref<1x1024xf32, #tpu.memory_space<vmem>>, %arg7: memref<1024x64xf32, #tpu.memory_space<vmem>>, %arg8: memref<1024x1024xf32, #tpu.memory_space<vmem>>, %arg9: memref<1x64xf32, #tpu.memory_space<vmem>>, %arg10: memref<1x64xf32, #tpu.memory_space<vmem>>, %arg11: memref<1x1024xf32, #tpu.memory_space<vmem>>, %arg12: memref<1x1024xf32, #tpu.memory_space<vmem>>) attributes {dimension_semantics = [#tpu.dimension_semantics<arbitrary>], iteration_bounds = array<i64: 16>, scalar_prefetch = 0 : i64, scratch_operands = 0 : i64, tpu.core_type = #tpu.core_type<tc>, window_params = [{transform_indices = @transform_0, window_bounds = array<i64: 1024, 13>}, {pipeline_mode = #tpu.pipeline_mode<synchronous>, transform_indices = @transform_1, window_bounds = array<i64: 13, 64>}, {pipeline_mode = #tpu.pipeline_mode<synchronous>, transform_indices = @transform_2, window_bounds = array<i64: 1, 64>}, {transform_indices = @transform_3, window_bounds = array<i64: 1024, 832>}, {pipeline_mode = #tpu.pipeline_mode<synchronous>, transform_indices = @transform_4, window_bounds = array<i64: 832, 1024>}, {pipeline_mode = #tpu.pipeline_mode<synchronous>, transform_indices = @transform_5, window_bounds = array<i64: 1, 1024>}, {transform_indices = @transform_6, window_bounds = array<i64: 1024, 64>}, {transform_indices = @transform_7, window_bounds = array<i64: 1024, 1024>}, {pipeline_mode = #tpu.pipeline_mode<synchronous>, transform_indices = @transform_8, window_bounds = array<i64: 1, 64>}, {pipeline_mode = #tpu.pipeline_mode<synchronous>, transform_indices = @transform_9, window_bounds = array<i64: 1, 64>}, {pipeline_mode = #tpu.pipeline_mode<synchronous>, transform_indices = @transform_10, window_bounds = array<i64: 1, 1024>}, {pipeline_mode = #tpu.pipeline_mode<synchronous>, transform_indices = @transform_11, window_bounds = array<i64: 1, 1024>}]} {
    %get3A = arith.constant 0 : index
    %get3A_0 = arith.constant 0 : index
    %get3A_1 = vector.load %arg1[%get3A, %get3A_0] : memref<1024x13xf32, #tpu.memory_space<vmem>>, vector<1024x13xf32>
    %get3A_2 = arith.constant 0 : index
    %get3A_3 = arith.constant 0 : index
    %get3A_4 = vector.load %arg2[%get3A_2, %get3A_3] : memref<13x64xf32, #tpu.memory_space<vmem>>, vector<13x64xf32>
    %dot_general3A = arith.constant dense<0.000000e+00> : vector<1024x64xf32>
    %dot_general3A_5 = tpu.matmul %get3A_1, %get3A_4, %dot_general3A {dimension_numbers = #tpu.dot_dimension_numbers<[1], [0], [0], [1], [0, 0, 1, 1], [], []>, transpose_lhs_hint = false} : vector<1024x13xf32>, vector<13x64xf32>, vector<1024x64xf32> -> vector<1024x64xf32>
    %get3A_6 = arith.constant 0 : index
    %get3A_7 = arith.constant 0 : index
    %get3A_8 = vector.load %arg3[%get3A_6, %get3A_7] : memref<1x64xf32, #tpu.memory_space<vmem>>, vector<1x64xf32>
    %add3A = vector.broadcast %get3A_8 : vector<1x64xf32> to vector<1024x64xf32>
    %add3A_9 = arith.addf %dot_general3A_5, %add3A : vector<1024x64xf32>
    %get3A_10 = arith.constant 0 : index
    %get3A_11 = arith.constant 0 : index
    %get3A_12 = vector.load %arg4[%get3A_10, %get3A_11] : memref<1024x832xf32, #tpu.memory_space<vmem>>, vector<1024x832xf32>
    %get3A_13 = arith.constant 0 : index
    %get3A_14 = arith.constant 0 : index
    %get3A_15 = vector.load %arg5[%get3A_13, %get3A_14] : memref<832x1024xf32, #tpu.memory_space<vmem>>, vector<832x1024xf32>
    %dot_general3A_16 = arith.constant dense<0.000000e+00> : vector<1024x1024xf32>
    %dot_general3A_17 = tpu.matmul %get3A_12, %get3A_15, %dot_general3A_16 {dimension_numbers = #tpu.dot_dimension_numbers<[1], [0], [0], [1], [0, 0, 1, 1], [], []>, transpose_lhs_hint = false} : vector<1024x832xf32>, vector<832x1024xf32>, vector<1024x1024xf32> -> vector<1024x1024xf32>
    %get3A_18 = arith.constant 0 : index
    %get3A_19 = arith.constant 0 : index
    %get3A_20 = vector.load %arg6[%get3A_18, %get3A_19] : memref<1x1024xf32, #tpu.memory_space<vmem>>, vector<1x1024xf32>
    %add3A_21 = vector.broadcast %get3A_20 : vector<1x1024xf32> to vector<1024x1024xf32>
    %add3A_22 = arith.addf %dot_general3A_17, %add3A_21 : vector<1024x1024xf32>
    %swap3A = arith.constant 0 : index
    %swap3A_23 = arith.constant 0 : index
    %swap3A_24 = vector.load %arg7[%swap3A, %swap3A_23] : memref<1024x64xf32, #tpu.memory_space<vmem>>, vector<1024x64xf32>
    tpu.vector_store %arg7[%swap3A, %swap3A_23], %add3A_9 {strides = array<i32>} : memref<1024x64xf32, #tpu.memory_space<vmem>>, vector<1024x64xf32>,
    %swap3A_25 = arith.constant 0 : index
    %swap3A_26 = arith.constant 0 : index
    %swap3A_27 = vector.load %arg8[%swap3A_25, %swap3A_26] : memref<1024x1024xf32, #tpu.memory_space<vmem>>, vector<1024x1024xf32>
    tpu.vector_store %arg8[%swap3A_25, %swap3A_26], %add3A_22 {strides = array<i32>} : memref<1024x1024xf32, #tpu.memory_space<vmem>>, vector<1024x1024xf32>,
    %reduce_sum3A = arith.constant dense<0.000000e+00> : vector<64xf32>
    %reduce_sum3A_28 = vector.multi_reduction <add>, %add3A_9, %reduce_sum3A [0] : vector<1024x64xf32> to vector<64xf32>
    %broadcast_in_dim3A = vector.shape_cast %reduce_sum3A_28 : vector<64xf32> to vector<1x64xf32>
    %mul3A = arith.mulf %add3A_9, %add3A_9 : vector<1024x64xf32>
    %reduce_sum3A_29 = arith.constant dense<0.000000e+00> : vector<64xf32>
    %reduce_sum3A_30 = vector.multi_reduction <add>, %mul3A, %reduce_sum3A_29 [0] : vector<1024x64xf32> to vector<64xf32>
    %broadcast_in_dim3A_31 = vector.shape_cast %reduce_sum3A_30 : vector<64xf32> to vector<1x64xf32>
    %reduce_sum3A_32 = arith.constant dense<0.000000e+00> : vector<1024xf32>
    %reduce_sum3A_33 = vector.multi_reduction <add>, %add3A_22, %reduce_sum3A_32 [0] : vector<1024x1024xf32> to vector<1024xf32>
    %broadcast_in_dim3A_34 = vector.shape_cast %reduce_sum3A_33 : vector<1024xf32> to vector<1x1024xf32>
    %mul3A_35 = arith.mulf %add3A_22, %add3A_22 : vector<1024x1024xf32>
    %reduce_sum3A_36 = arith.constant dense<0.000000e+00> : vector<1024xf32>
    %reduce_sum3A_37 = vector.multi_reduction <add>, %mul3A_35, %reduce_sum3A_36 [0] : vector<1024x1024xf32> to vector<1024xf32>
    %broadcast_in_dim3A_38 = vector.shape_cast %reduce_sum3A_37 : vector<1024xf32> to vector<1x1024xf32>
    %eq3A = arith.constant 0 : i32
    %eq3A_39 = arith.cmpi eq, %arg0, %eq3A : i32
    %convert_element_type3A = arith.extui %eq3A_39 : i1 to i32
    %cond3A = arith.constant 0 : i32
    %cond3A_40 = arith.cmpi ne, %convert_element_type3A, %cond3A : i32
    scf.if %cond3A_40 {
      %swap3A_45 = arith.constant 0 : index
      %swap3A_46 = arith.constant 0 : index
      %swap3A_47 = vector.load %arg9[%swap3A_45, %swap3A_46] : memref<1x64xf32, #tpu.memory_space<vmem>>, vector<1x64xf32>
      tpu.vector_store %arg9[%swap3A_45, %swap3A_46], %broadcast_in_dim3A {strides = array<i32>} : memref<1x64xf32, #tpu.memory_space<vmem>>, vector<1x64xf32>,
      %swap3A_48 = arith.constant 0 : index
      %swap3A_49 = arith.constant 0 : index
      %swap3A_50 = vector.load %arg10[%swap3A_48, %swap3A_49] : memref<1x64xf32, #tpu.memory_space<vmem>>, vector<1x64xf32>
      tpu.vector_store %arg10[%swap3A_48, %swap3A_49], %broadcast_in_dim3A_31 {strides = array<i32>} : memref<1x64xf32, #tpu.memory_space<vmem>>, vector<1x64xf32>,
      %swap3A_51 = arith.constant 0 : index
      %swap3A_52 = arith.constant 0 : index
      %swap3A_53 = vector.load %arg11[%swap3A_51, %swap3A_52] : memref<1x1024xf32, #tpu.memory_space<vmem>>, vector<1x1024xf32>
      tpu.vector_store %arg11[%swap3A_51, %swap3A_52], %broadcast_in_dim3A_34 {strides = array<i32>} : memref<1x1024xf32, #tpu.memory_space<vmem>>, vector<1x1024xf32>,
      %swap3A_54 = arith.constant 0 : index
      %swap3A_55 = arith.constant 0 : index
      %swap3A_56 = vector.load %arg12[%swap3A_54, %swap3A_55] : memref<1x1024xf32, #tpu.memory_space<vmem>>, vector<1x1024xf32>
      tpu.vector_store %arg12[%swap3A_54, %swap3A_55], %broadcast_in_dim3A_38 {strides = array<i32>} : memref<1x1024xf32, #tpu.memory_space<vmem>>, vector<1x1024xf32>,
    } else {
    }
    %gt3A = arith.constant 0 : i32
    %gt3A_41 = arith.cmpi sgt, %arg0, %gt3A : i32
    %convert_element_type3A_42 = arith.extui %gt3A_41 : i1 to i32
    %cond3A_43 = arith.constant 0 : i32
    %cond3A_44 = arith.cmpi ne, %convert_element_type3A_42, %cond3A_43 : i32
    scf.if %cond3A_44 {
      %get3A_45 = arith.constant 0 : index
      %get3A_46 = arith.constant 0 : index
      %get3A_47 = vector.load %arg9[%get3A_45, %get3A_46] : memref<1x64xf32, #tpu.memory_space<vmem>>, vector<1x64xf32>
      %add3A_48 = arith.addf %get3A_47, %broadcast_in_dim3A : vector<1x64xf32>
      %swap3A_49 = arith.constant 0 : index
      %swap3A_50 = arith.constant 0 : index
      %swap3A_51 = vector.load %arg9[%swap3A_49, %swap3A_50] : memref<1x64xf32, #tpu.memory_space<vmem>>, vector<1x64xf32>
      tpu.vector_store %arg9[%swap3A_49, %swap3A_50], %add3A_48 {strides = array<i32>} : memref<1x64xf32, #tpu.memory_space<vmem>>, vector<1x64xf32>,
      %get3A_52 = arith.constant 0 : index
      %get3A_53 = arith.constant 0 : index
      %get3A_54 = vector.load %arg10[%get3A_52, %get3A_53] : memref<1x64xf32, #tpu.memory_space<vmem>>, vector<1x64xf32>
      %add3A_55 = arith.addf %get3A_54, %broadcast_in_dim3A_31 : vector<1x64xf32>
      %swap3A_56 = arith.constant 0 : index
      %swap3A_57 = arith.constant 0 : index
      %swap3A_58 = vector.load %arg10[%swap3A_56, %swap3A_57] : memref<1x64xf32, #tpu.memory_space<vmem>>, vector<1x64xf32>
      tpu.vector_store %arg10[%swap3A_56, %swap3A_57], %add3A_55 {strides = array<i32>} : memref<1x64xf32, #tpu.memory_space<vmem>>, vector<1x64xf32>,
      %get3A_59 = arith.constant 0 : index
      %get3A_60 = arith.constant 0 : index
      %get3A_61 = vector.load %arg11[%get3A_59, %get3A_60] : memref<1x1024xf32, #tpu.memory_space<vmem>>, vector<1x1024xf32>
      %add3A_62 = arith.addf %get3A_61, %broadcast_in_dim3A_34 : vector<1x1024xf32>
      %swap3A_63 = arith.constant 0 : index
      %swap3A_64 = arith.constant 0 : index
      %swap3A_65 = vector.load %arg11[%swap3A_63, %swap3A_64] : memref<1x1024xf32, #tpu.memory_space<vmem>>, vector<1x1024xf32>
      tpu.vector_store %arg11[%swap3A_63, %swap3A_64], %add3A_62 {strides = array<i32>} : memref<1x1024xf32, #tpu.memory_space<vmem>>, vector<1x1024xf32>,
      %get3A_66 = arith.constant 0 : index
      %get3A_67 = arith.constant 0 : index
      %get3A_68 = vector.load %arg12[%get3A_66, %get3A_67] : memref<1x1024xf32, #tpu.memory_space<vmem>>, vector<1x1024xf32>
      %add3A_69 = arith.addf %get3A_68, %broadcast_in_dim3A_38 : vector<1x1024xf32>
      %swap3A_70 = arith.constant 0 : index
      %swap3A_71 = arith.constant 0 : index
      %swap3A_72 = vector.load %arg12[%swap3A_70, %swap3A_71] : memref<1x1024xf32, #tpu.memory_space<vmem>>, vector<1x1024xf32>
      tpu.vector_store %arg12[%swap3A_70, %swap3A_71], %add3A_69 {strides = array<i32>} : memref<1x1024xf32, #tpu.memory_space<vmem>>, vector<1x1024xf32>,
    } else {
    }
    return
  }
  func.func @transform_0(%arg0: i32) -> (i32, i32) {
    %c0_i32 = arith.constant 0 : i32
    %c0_i32_0 = arith.constant 0 : i32
    return %arg0, %c0_i32 : i32, i32
  }
  func.func @transform_1(%arg0: i32) -> (i32, i32) {
    %c0_i32 = arith.constant 0 : i32
    %c0_i32_0 = arith.constant 0 : i32
    %c0_i32_1 = arith.constant 0 : i32
    return %c0_i32, %c0_i32_0 : i32, i32
  }
  func.func @transform_2(%arg0: i32) -> (i32, i32) {
    %c0_i32 = arith.constant 0 : i32
    %c0_i32_0 = arith.constant 0 : i32
    %c0_i32_1 = arith.constant 0 : i32
    return %c0_i32, %c0_i32_0 : i32, i32
  }
  func.func @transform_3(%arg0: i32) -> (i32, i32) {
    %c0_i32 = arith.constant 0 : i32
    %c0_i32_0 = arith.constant 0 : i32
    return %arg0, %c0_i32 : i32, i32
  }
  func.func @transform_4(%arg0: i32) -> (i32, i32) {
    %c0_i32 = arith.constant 0 : i32
    %c0_i32_0 = arith.constant 0 : i32
    %c0_i32_1 = arith.constant 0 : i32
    return %c0_i32, %c0_i32_0 : i32, i32
  }
  func.func @transform_5(%arg0: i32) -> (i32, i32) {
    %c0_i32 = arith.constant 0 : i32
    %c0_i32_0 = arith.constant 0 : i32
    %c0_i32_1 = arith.constant 0 : i32
    return %c0_i32, %c0_i32_0 : i32, i32
  }
  func.func @transform_6(%arg0: i32) -> (i32, i32) {
    %c0_i32 = arith.constant 0 : i32
    %c0_i32_0 = arith.constant 0 : i32
    return %arg0, %c0_i32 : i32, i32
  }
  func.func @transform_7(%arg0: i32) -> (i32, i32) {
    %c0_i32 = arith.constant 0 : i32
    %c0_i32_0 = arith.constant 0 : i32
    return %arg0, %c0_i32 : i32, i32
  }
  func.func @transform_8(%arg0: i32) -> (i32, i32) {
    %c0_i32 = arith.constant 0 : i32
    %c0_i32_0 = arith.constant 0 : i32
    %c0_i32_1 = arith.constant 0 : i32
    return %c0_i32, %c0_i32_0 : i32, i32
  }
  func.func @transform_9(%arg0: i32) -> (i32, i32) {
    %c0_i32 = arith.constant 0 : i32
    %c0_i32_0 = arith.constant 0 : i32
    %c0_i32_1 = arith.constant 0 : i32
    return %c0_i32, %c0_i32_0 : i32, i32
  }
  func.func @transform_10(%arg0: i32) -> (i32, i32) {
    %c0_i32 = arith.constant 0 : i32
    %c0_i32_0 = arith.constant 0 : i32
    %c0_i32_1 = arith.constant 0 : i32
    return %c0_i32, %c0_i32_0 : i32, i32
  }
  func.func @transform_11(%arg0: i32) -> (i32, i32) {
    %c0_i32 = arith.constant 0 : i32
    %c0_i32_0 = arith.constant 0 : i32
    %c0_i32_1 = arith.constant 0 : i32
    return %c0_i32, %c0_i32_0 : i32, i32
  }
}

module attributes {stable_mosaic.version = 14 : i64} {
  func.func @_p2_body(%arg0: i32, %arg1: memref<1024x64xf32, #tpu.memory_space<vmem>>, %arg2: memref<1024x1024xf32, #tpu.memory_space<vmem>>, %arg3: memref<1x64xf32, #tpu.memory_space<vmem>>, %arg4: memref<1x64xf32, #tpu.memory_space<vmem>>, %arg5: memref<1x1024xf32, #tpu.memory_space<vmem>>, %arg6: memref<1x1024xf32, #tpu.memory_space<vmem>>, %arg7: memref<1x64xf32, #tpu.memory_space<vmem>>, %arg8: memref<1x64xf32, #tpu.memory_space<vmem>>, %arg9: memref<1x1024xf32, #tpu.memory_space<vmem>>, %arg10: memref<1x1024xf32, #tpu.memory_space<vmem>>, %arg11: memref<64x512xf32, #tpu.memory_space<vmem>>, %arg12: memref<1024x512xf32, #tpu.memory_space<vmem>>, %arg13: memref<1x512xf32, #tpu.memory_space<vmem>>, %arg14: memref<1024x512xf32, #tpu.memory_space<vmem>>, %arg15: memref<1x512xf32, #tpu.memory_space<vmem>>, %arg16: memref<1x512xf32, #tpu.memory_space<vmem>>) attributes {dimension_semantics = [#tpu.dimension_semantics<arbitrary>], iteration_bounds = array<i64: 16>, scalar_prefetch = 0 : i64, scratch_operands = 0 : i64, tpu.core_type = #tpu.core_type<tc>, window_params = [{transform_indices = @transform_0, window_bounds = array<i64: 1024, 64>}, {transform_indices = @transform_1, window_bounds = array<i64: 1024, 1024>}, {pipeline_mode = #tpu.pipeline_mode<synchronous>, transform_indices = @transform_2, window_bounds = array<i64: 1, 64>}, {pipeline_mode = #tpu.pipeline_mode<synchronous>, transform_indices = @transform_3, window_bounds = array<i64: 1, 64>}, {pipeline_mode = #tpu.pipeline_mode<synchronous>, transform_indices = @transform_4, window_bounds = array<i64: 1, 1024>}, {pipeline_mode = #tpu.pipeline_mode<synchronous>, transform_indices = @transform_5, window_bounds = array<i64: 1, 1024>}, {pipeline_mode = #tpu.pipeline_mode<synchronous>, transform_indices = @transform_6, window_bounds = array<i64: 1, 64>}, {pipeline_mode = #tpu.pipeline_mode<synchronous>, transform_indices = @transform_7, window_bounds = array<i64: 1, 64>}, {pipeline_mode = #tpu.pipeline_mode<synchronous>, transform_indices = @transform_8, window_bounds = array<i64: 1, 1024>}, {pipeline_mode = #tpu.pipeline_mode<synchronous>, transform_indices = @transform_9, window_bounds = array<i64: 1, 1024>}, {pipeline_mode = #tpu.pipeline_mode<synchronous>, transform_indices = @transform_10, window_bounds = array<i64: 64, 512>}, {pipeline_mode = #tpu.pipeline_mode<synchronous>, transform_indices = @transform_11, window_bounds = array<i64: 1024, 512>}, {pipeline_mode = #tpu.pipeline_mode<synchronous>, transform_indices = @transform_12, window_bounds = array<i64: 1, 512>}, {transform_indices = @transform_13, window_bounds = array<i64: 1024, 512>}, {pipeline_mode = #tpu.pipeline_mode<synchronous>, transform_indices = @transform_14, window_bounds = array<i64: 1, 512>}, {pipeline_mode = #tpu.pipeline_mode<synchronous>, transform_indices = @transform_15, window_bounds = array<i64: 1, 512>}]} {
    %get3A = arith.constant 0 : index
    %get3A_0 = arith.constant 0 : index
    %get3A_1 = vector.load %arg3[%get3A, %get3A_0] : memref<1x64xf32, #tpu.memory_space<vmem>>, vector<1x64xf32>
    %mul3A = arith.constant 6.10351563E-5 : f32
    %mul3A_2 = vector.broadcast %mul3A : f32 to vector<1x64xf32>
    %mul3A_3 = arith.mulf %get3A_1, %mul3A_2 : vector<1x64xf32>
    %get3A_4 = arith.constant 0 : index
    %get3A_5 = arith.constant 0 : index
    %get3A_6 = vector.load %arg4[%get3A_4, %get3A_5] : memref<1x64xf32, #tpu.memory_space<vmem>>, vector<1x64xf32>
    %mul3A_7 = arith.constant 6.10351563E-5 : f32
    %mul3A_8 = vector.broadcast %mul3A_7 : f32 to vector<1x64xf32>
    %mul3A_9 = arith.mulf %get3A_6, %mul3A_8 : vector<1x64xf32>
    %mul3A_10 = arith.mulf %mul3A_3, %mul3A_3 : vector<1x64xf32>
    %sub3A = arith.subf %mul3A_9, %mul3A_10 : vector<1x64xf32>
    %add3A = arith.constant 9.99999974E-6 : f32
    %add3A_11 = vector.broadcast %add3A : f32 to vector<1x64xf32>
    %add3A_12 = arith.addf %sub3A, %add3A_11 : vector<1x64xf32>
    %rsqrt3A = math.rsqrt %add3A_12 : vector<1x64xf32>
    %get3A_13 = arith.constant 0 : index
    %get3A_14 = arith.constant 0 : index
    %get3A_15 = vector.load %arg7[%get3A_13, %get3A_14] : memref<1x64xf32, #tpu.memory_space<vmem>>, vector<1x64xf32>
    %mul3A_16 = arith.mulf %rsqrt3A, %get3A_15 : vector<1x64xf32>
    %get3A_17 = arith.constant 0 : index
    %get3A_18 = arith.constant 0 : index
    %get3A_19 = vector.load %arg1[%get3A_17, %get3A_18] : memref<1024x64xf32, #tpu.memory_space<vmem>>, vector<1024x64xf32>
    %sub3A_20 = vector.broadcast %mul3A_3 : vector<1x64xf32> to vector<1024x64xf32>
    %sub3A_21 = arith.subf %get3A_19, %sub3A_20 : vector<1024x64xf32>
    %mul3A_22 = vector.broadcast %mul3A_16 : vector<1x64xf32> to vector<1024x64xf32>
    %mul3A_23 = arith.mulf %sub3A_21, %mul3A_22 : vector<1024x64xf32>
    %get3A_24 = arith.constant 0 : index
    %get3A_25 = arith.constant 0 : index
    %get3A_26 = vector.load %arg8[%get3A_24, %get3A_25] : memref<1x64xf32, #tpu.memory_space<vmem>>, vector<1x64xf32>
    %add3A_27 = vector.broadcast %get3A_26 : vector<1x64xf32> to vector<1024x64xf32>
    %add3A_28 = arith.addf %mul3A_23, %add3A_27 : vector<1024x64xf32>
    %max3A = arith.constant 0.000000e+00 : f32
    %max3A_29 = vector.broadcast %max3A : f32 to vector<1024x64xf32>
    %max3A_30 = arith.maximumf %add3A_28, %max3A_29 : vector<1024x64xf32>
    %get3A_31 = arith.constant 0 : index
    %get3A_32 = arith.constant 0 : index
    %get3A_33 = vector.load %arg5[%get3A_31, %get3A_32] : memref<1x1024xf32, #tpu.memory_space<vmem>>, vector<1x1024xf32>
    %mul3A_34 = arith.constant 6.10351563E-5 : f32
    %mul3A_35 = vector.broadcast %mul3A_34 : f32 to vector<1x1024xf32>
    %mul3A_36 = arith.mulf %get3A_33, %mul3A_35 : vector<1x1024xf32>
    %get3A_37 = arith.constant 0 : index
    %get3A_38 = arith.constant 0 : index
    %get3A_39 = vector.load %arg6[%get3A_37, %get3A_38] : memref<1x1024xf32, #tpu.memory_space<vmem>>, vector<1x1024xf32>
    %mul3A_40 = arith.constant 6.10351563E-5 : f32
    %mul3A_41 = vector.broadcast %mul3A_40 : f32 to vector<1x1024xf32>
    %mul3A_42 = arith.mulf %get3A_39, %mul3A_41 : vector<1x1024xf32>
    %mul3A_43 = arith.mulf %mul3A_36, %mul3A_36 : vector<1x1024xf32>
    %sub3A_44 = arith.subf %mul3A_42, %mul3A_43 : vector<1x1024xf32>
    %add3A_45 = arith.constant 9.99999974E-6 : f32
    %add3A_46 = vector.broadcast %add3A_45 : f32 to vector<1x1024xf32>
    %add3A_47 = arith.addf %sub3A_44, %add3A_46 : vector<1x1024xf32>
    %rsqrt3A_48 = math.rsqrt %add3A_47 : vector<1x1024xf32>
    %get3A_49 = arith.constant 0 : index
    %get3A_50 = arith.constant 0 : index
    %get3A_51 = vector.load %arg9[%get3A_49, %get3A_50] : memref<1x1024xf32, #tpu.memory_space<vmem>>, vector<1x1024xf32>
    %mul3A_52 = arith.mulf %rsqrt3A_48, %get3A_51 : vector<1x1024xf32>
    %get3A_53 = arith.constant 0 : index
    %get3A_54 = arith.constant 0 : index
    %get3A_55 = vector.load %arg2[%get3A_53, %get3A_54] : memref<1024x1024xf32, #tpu.memory_space<vmem>>, vector<1024x1024xf32>
    %sub3A_56 = vector.broadcast %mul3A_36 : vector<1x1024xf32> to vector<1024x1024xf32>
    %sub3A_57 = arith.subf %get3A_55, %sub3A_56 : vector<1024x1024xf32>
    %mul3A_58 = vector.broadcast %mul3A_52 : vector<1x1024xf32> to vector<1024x1024xf32>
    %mul3A_59 = arith.mulf %sub3A_57, %mul3A_58 : vector<1024x1024xf32>
    %get3A_60 = arith.constant 0 : index
    %get3A_61 = arith.constant 0 : index
    %get3A_62 = vector.load %arg10[%get3A_60, %get3A_61] : memref<1x1024xf32, #tpu.memory_space<vmem>>, vector<1x1024xf32>
    %add3A_63 = vector.broadcast %get3A_62 : vector<1x1024xf32> to vector<1024x1024xf32>
    %add3A_64 = arith.addf %mul3A_59, %add3A_63 : vector<1024x1024xf32>
    %max3A_65 = arith.constant 0.000000e+00 : f32
    %max3A_66 = vector.broadcast %max3A_65 : f32 to vector<1024x1024xf32>
    %max3A_67 = arith.maximumf %add3A_64, %max3A_66 : vector<1024x1024xf32>
    %get3A_68 = arith.constant 0 : index
    %get3A_69 = arith.constant 0 : index
    %get3A_70 = vector.load %arg11[%get3A_68, %get3A_69] : memref<64x512xf32, #tpu.memory_space<vmem>>, vector<64x512xf32>
    %dot_general3A = arith.constant dense<0.000000e+00> : vector<1024x512xf32>
    %dot_general3A_71 = tpu.matmul %max3A_30, %get3A_70, %dot_general3A {dimension_numbers = #tpu.dot_dimension_numbers<[1], [0], [0], [1], [0, 0, 1, 1], [], []>, transpose_lhs_hint = false} : vector<1024x64xf32>, vector<64x512xf32>, vector<1024x512xf32> -> vector<1024x512xf32>
    %get3A_72 = arith.constant 0 : index
    %get3A_73 = arith.constant 0 : index
    %get3A_74 = vector.load %arg12[%get3A_72, %get3A_73] : memref<1024x512xf32, #tpu.memory_space<vmem>>, vector<1024x512xf32>
    %dot_general3A_75 = arith.constant dense<0.000000e+00> : vector<1024x512xf32>
    %dot_general3A_76 = tpu.matmul %max3A_67, %get3A_74, %dot_general3A_75 {dimension_numbers = #tpu.dot_dimension_numbers<[1], [0], [0], [1], [0, 0, 1, 1], [], []>, transpose_lhs_hint = false} : vector<1024x1024xf32>, vector<1024x512xf32>, vector<1024x512xf32> -> vector<1024x512xf32>
    %add3A_77 = arith.addf %dot_general3A_71, %dot_general3A_76 : vector<1024x512xf32>
    %get3A_78 = arith.constant 0 : index
    %get3A_79 = arith.constant 0 : index
    %get3A_80 = vector.load %arg13[%get3A_78, %get3A_79] : memref<1x512xf32, #tpu.memory_space<vmem>>, vector<1x512xf32>
    %add3A_81 = vector.broadcast %get3A_80 : vector<1x512xf32> to vector<1024x512xf32>
    %add3A_82 = arith.addf %add3A_77, %add3A_81 : vector<1024x512xf32>
    %swap3A = arith.constant 0 : index
    %swap3A_83 = arith.constant 0 : index
    %swap3A_84 = vector.load %arg14[%swap3A, %swap3A_83] : memref<1024x512xf32, #tpu.memory_space<vmem>>, vector<1024x512xf32>
    tpu.vector_store %arg14[%swap3A, %swap3A_83], %add3A_82 {strides = array<i32>} : memref<1024x512xf32, #tpu.memory_space<vmem>>, vector<1024x512xf32>,
    %reduce_sum3A = arith.constant dense<0.000000e+00> : vector<512xf32>
    %reduce_sum3A_85 = vector.multi_reduction <add>, %add3A_82, %reduce_sum3A [0] : vector<1024x512xf32> to vector<512xf32>
    %broadcast_in_dim3A = vector.shape_cast %reduce_sum3A_85 : vector<512xf32> to vector<1x512xf32>
    %mul3A_86 = arith.mulf %add3A_82, %add3A_82 : vector<1024x512xf32>
    %reduce_sum3A_87 = arith.constant dense<0.000000e+00> : vector<512xf32>
    %reduce_sum3A_88 = vector.multi_reduction <add>, %mul3A_86, %reduce_sum3A_87 [0] : vector<1024x512xf32> to vector<512xf32>
    %broadcast_in_dim3A_89 = vector.shape_cast %reduce_sum3A_88 : vector<512xf32> to vector<1x512xf32>
    %eq3A = arith.constant 0 : i32
    %eq3A_90 = arith.cmpi eq, %arg0, %eq3A : i32
    %convert_element_type3A = arith.extui %eq3A_90 : i1 to i32
    %cond3A = arith.constant 0 : i32
    %cond3A_91 = arith.cmpi ne, %convert_element_type3A, %cond3A : i32
    scf.if %cond3A_91 {
      %swap3A_96 = arith.constant 0 : index
      %swap3A_97 = arith.constant 0 : index
      %swap3A_98 = vector.load %arg15[%swap3A_96, %swap3A_97] : memref<1x512xf32, #tpu.memory_space<vmem>>, vector<1x512xf32>
      tpu.vector_store %arg15[%swap3A_96, %swap3A_97], %broadcast_in_dim3A {strides = array<i32>} : memref<1x512xf32, #tpu.memory_space<vmem>>, vector<1x512xf32>,
      %swap3A_99 = arith.constant 0 : index
      %swap3A_100 = arith.constant 0 : index
      %swap3A_101 = vector.load %arg16[%swap3A_99, %swap3A_100] : memref<1x512xf32, #tpu.memory_space<vmem>>, vector<1x512xf32>
      tpu.vector_store %arg16[%swap3A_99, %swap3A_100], %broadcast_in_dim3A_89 {strides = array<i32>} : memref<1x512xf32, #tpu.memory_space<vmem>>, vector<1x512xf32>,
    } else {
    }
    %gt3A = arith.constant 0 : i32
    %gt3A_92 = arith.cmpi sgt, %arg0, %gt3A : i32
    %convert_element_type3A_93 = arith.extui %gt3A_92 : i1 to i32
    %cond3A_94 = arith.constant 0 : i32
    %cond3A_95 = arith.cmpi ne, %convert_element_type3A_93, %cond3A_94 : i32
    scf.if %cond3A_95 {
      %get3A_96 = arith.constant 0 : index
      %get3A_97 = arith.constant 0 : index
      %get3A_98 = vector.load %arg15[%get3A_96, %get3A_97] : memref<1x512xf32, #tpu.memory_space<vmem>>, vector<1x512xf32>
      %add3A_99 = arith.addf %get3A_98, %broadcast_in_dim3A : vector<1x512xf32>
      %swap3A_100 = arith.constant 0 : index
      %swap3A_101 = arith.constant 0 : index
      %swap3A_102 = vector.load %arg15[%swap3A_100, %swap3A_101] : memref<1x512xf32, #tpu.memory_space<vmem>>, vector<1x512xf32>
      tpu.vector_store %arg15[%swap3A_100, %swap3A_101], %add3A_99 {strides = array<i32>} : memref<1x512xf32, #tpu.memory_space<vmem>>, vector<1x512xf32>,
      %get3A_103 = arith.constant 0 : index
      %get3A_104 = arith.constant 0 : index
      %get3A_105 = vector.load %arg16[%get3A_103, %get3A_104] : memref<1x512xf32, #tpu.memory_space<vmem>>, vector<1x512xf32>
      %add3A_106 = arith.addf %get3A_105, %broadcast_in_dim3A_89 : vector<1x512xf32>
      %swap3A_107 = arith.constant 0 : index
      %swap3A_108 = arith.constant 0 : index
      %swap3A_109 = vector.load %arg16[%swap3A_107, %swap3A_108] : memref<1x512xf32, #tpu.memory_space<vmem>>, vector<1x512xf32>
      tpu.vector_store %arg16[%swap3A_107, %swap3A_108], %add3A_106 {strides = array<i32>} : memref<1x512xf32, #tpu.memory_space<vmem>>, vector<1x512xf32>,
    } else {
    }
    return
  }
  func.func @transform_0(%arg0: i32) -> (i32, i32) {
    %c0_i32 = arith.constant 0 : i32
    %c0_i32_0 = arith.constant 0 : i32
    return %arg0, %c0_i32 : i32, i32
  }
  func.func @transform_1(%arg0: i32) -> (i32, i32) {
    %c0_i32 = arith.constant 0 : i32
    %c0_i32_0 = arith.constant 0 : i32
    return %arg0, %c0_i32 : i32, i32
  }
  func.func @transform_2(%arg0: i32) -> (i32, i32) {
    %c0_i32 = arith.constant 0 : i32
    %c0_i32_0 = arith.constant 0 : i32
    %c0_i32_1 = arith.constant 0 : i32
    return %c0_i32, %c0_i32_0 : i32, i32
  }
  func.func @transform_3(%arg0: i32) -> (i32, i32) {
    %c0_i32 = arith.constant 0 : i32
    %c0_i32_0 = arith.constant 0 : i32
    %c0_i32_1 = arith.constant 0 : i32
    return %c0_i32, %c0_i32_0 : i32, i32
  }
  func.func @transform_4(%arg0: i32) -> (i32, i32) {
    %c0_i32 = arith.constant 0 : i32
    %c0_i32_0 = arith.constant 0 : i32
    %c0_i32_1 = arith.constant 0 : i32
    return %c0_i32, %c0_i32_0 : i32, i32
  }
  func.func @transform_5(%arg0: i32) -> (i32, i32) {
    %c0_i32 = arith.constant 0 : i32
    %c0_i32_0 = arith.constant 0 : i32
    %c0_i32_1 = arith.constant 0 : i32
    return %c0_i32, %c0_i32_0 : i32, i32
  }
  func.func @transform_6(%arg0: i32) -> (i32, i32) {
    %c0_i32 = arith.constant 0 : i32
    %c0_i32_0 = arith.constant 0 : i32
    %c0_i32_1 = arith.constant 0 : i32
    return %c0_i32, %c0_i32_0 : i32, i32
  }
  func.func @transform_7(%arg0: i32) -> (i32, i32) {
    %c0_i32 = arith.constant 0 : i32
    %c0_i32_0 = arith.constant 0 : i32
    %c0_i32_1 = arith.constant 0 : i32
    return %c0_i32, %c0_i32_0 : i32, i32
  }
  func.func @transform_8(%arg0: i32) -> (i32, i32) {
    %c0_i32 = arith.constant 0 : i32
    %c0_i32_0 = arith.constant 0 : i32
    %c0_i32_1 = arith.constant 0 : i32
    return %c0_i32, %c0_i32_0 : i32, i32
  }
  func.func @transform_9(%arg0: i32) -> (i32, i32) {
    %c0_i32 = arith.constant 0 : i32
    %c0_i32_0 = arith.constant 0 : i32
    %c0_i32_1 = arith.constant 0 : i32
    return %c0_i32, %c0_i32_0 : i32, i32
  }
  func.func @transform_10(%arg0: i32) -> (i32, i32) {
    %c0_i32 = arith.constant 0 : i32
    %c0_i32_0 = arith.constant 0 : i32
    %c0_i32_1 = arith.constant 0 : i32
    return %c0_i32, %c0_i32_0 : i32, i32
  }
  func.func @transform_11(%arg0: i32) -> (i32, i32) {
    %c0_i32 = arith.constant 0 : i32
    %c0_i32_0 = arith.constant 0 : i32
    %c0_i32_1 = arith.constant 0 : i32
    return %c0_i32, %c0_i32_0 : i32, i32
  }
  func.func @transform_12(%arg0: i32) -> (i32, i32) {
    %c0_i32 = arith.constant 0 : i32
    %c0_i32_0 = arith.constant 0 : i32
    %c0_i32_1 = arith.constant 0 : i32
    return %c0_i32, %c0_i32_0 : i32, i32
  }
  func.func @transform_13(%arg0: i32) -> (i32, i32) {
    %c0_i32 = arith.constant 0 : i32
    %c0_i32_0 = arith.constant 0 : i32
    return %arg0, %c0_i32 : i32, i32
  }
  func.func @transform_14(%arg0: i32) -> (i32, i32) {
    %c0_i32 = arith.constant 0 : i32
    %c0_i32_0 = arith.constant 0 : i32
    %c0_i32_1 = arith.constant 0 : i32
    return %c0_i32, %c0_i32_0 : i32, i32
  }
  func.func @transform_15(%arg0: i32) -> (i32, i32) {
    %c0_i32 = arith.constant 0 : i32
    %c0_i32_0 = arith.constant 0 : i32
    %c0_i32_1 = arith.constant 0 : i32
    return %c0_i32, %c0_i32_0 : i32, i32
  }
}

module attributes {stable_mosaic.version = 14 : i64} {
  func.func @_p3_body(%arg0: i32, %arg1: memref<1024x512xf32, #tpu.memory_space<vmem>>, %arg2: memref<1x512xf32, #tpu.memory_space<vmem>>, %arg3: memref<1x512xf32, #tpu.memory_space<vmem>>, %arg4: memref<1x512xf32, #tpu.memory_space<vmem>>, %arg5: memref<1x512xf32, #tpu.memory_space<vmem>>, %arg6: memref<512x4xf32, #tpu.memory_space<vmem>>, %arg7: memref<1x4xf32, #tpu.memory_space<vmem>>, %arg8: memref<1024x4xf32, #tpu.memory_space<vmem>>) attributes {dimension_semantics = [#tpu.dimension_semantics<arbitrary>], iteration_bounds = array<i64: 16>, scalar_prefetch = 0 : i64, scratch_operands = 0 : i64, tpu.core_type = #tpu.core_type<tc>, window_params = [{transform_indices = @transform_0, window_bounds = array<i64: 1024, 512>}, {pipeline_mode = #tpu.pipeline_mode<synchronous>, transform_indices = @transform_1, window_bounds = array<i64: 1, 512>}, {pipeline_mode = #tpu.pipeline_mode<synchronous>, transform_indices = @transform_2, window_bounds = array<i64: 1, 512>}, {pipeline_mode = #tpu.pipeline_mode<synchronous>, transform_indices = @transform_3, window_bounds = array<i64: 1, 512>}, {pipeline_mode = #tpu.pipeline_mode<synchronous>, transform_indices = @transform_4, window_bounds = array<i64: 1, 512>}, {pipeline_mode = #tpu.pipeline_mode<synchronous>, transform_indices = @transform_5, window_bounds = array<i64: 512, 4>}, {pipeline_mode = #tpu.pipeline_mode<synchronous>, transform_indices = @transform_6, window_bounds = array<i64: 1, 4>}, {transform_indices = @transform_7, window_bounds = array<i64: 1024, 4>}]} {
    %get3A = arith.constant 0 : index
    %get3A_0 = arith.constant 0 : index
    %get3A_1 = vector.load %arg2[%get3A, %get3A_0] : memref<1x512xf32, #tpu.memory_space<vmem>>, vector<1x512xf32>
    %mul3A = arith.constant 6.10351563E-5 : f32
    %mul3A_2 = vector.broadcast %mul3A : f32 to vector<1x512xf32>
    %mul3A_3 = arith.mulf %get3A_1, %mul3A_2 : vector<1x512xf32>
    %get3A_4 = arith.constant 0 : index
    %get3A_5 = arith.constant 0 : index
    %get3A_6 = vector.load %arg3[%get3A_4, %get3A_5] : memref<1x512xf32, #tpu.memory_space<vmem>>, vector<1x512xf32>
    %mul3A_7 = arith.constant 6.10351563E-5 : f32
    %mul3A_8 = vector.broadcast %mul3A_7 : f32 to vector<1x512xf32>
    %mul3A_9 = arith.mulf %get3A_6, %mul3A_8 : vector<1x512xf32>
    %mul3A_10 = arith.mulf %mul3A_3, %mul3A_3 : vector<1x512xf32>
    %sub3A = arith.subf %mul3A_9, %mul3A_10 : vector<1x512xf32>
    %add3A = arith.constant 9.99999974E-6 : f32
    %add3A_11 = vector.broadcast %add3A : f32 to vector<1x512xf32>
    %add3A_12 = arith.addf %sub3A, %add3A_11 : vector<1x512xf32>
    %rsqrt3A = math.rsqrt %add3A_12 : vector<1x512xf32>
    %get3A_13 = arith.constant 0 : index
    %get3A_14 = arith.constant 0 : index
    %get3A_15 = vector.load %arg4[%get3A_13, %get3A_14] : memref<1x512xf32, #tpu.memory_space<vmem>>, vector<1x512xf32>
    %mul3A_16 = arith.mulf %rsqrt3A, %get3A_15 : vector<1x512xf32>
    %get3A_17 = arith.constant 0 : index
    %get3A_18 = arith.constant 0 : index
    %get3A_19 = vector.load %arg1[%get3A_17, %get3A_18] : memref<1024x512xf32, #tpu.memory_space<vmem>>, vector<1024x512xf32>
    %sub3A_20 = vector.broadcast %mul3A_3 : vector<1x512xf32> to vector<1024x512xf32>
    %sub3A_21 = arith.subf %get3A_19, %sub3A_20 : vector<1024x512xf32>
    %mul3A_22 = vector.broadcast %mul3A_16 : vector<1x512xf32> to vector<1024x512xf32>
    %mul3A_23 = arith.mulf %sub3A_21, %mul3A_22 : vector<1024x512xf32>
    %get3A_24 = arith.constant 0 : index
    %get3A_25 = arith.constant 0 : index
    %get3A_26 = vector.load %arg5[%get3A_24, %get3A_25] : memref<1x512xf32, #tpu.memory_space<vmem>>, vector<1x512xf32>
    %add3A_27 = vector.broadcast %get3A_26 : vector<1x512xf32> to vector<1024x512xf32>
    %add3A_28 = arith.addf %mul3A_23, %add3A_27 : vector<1024x512xf32>
    %max3A = arith.constant 0.000000e+00 : f32
    %max3A_29 = vector.broadcast %max3A : f32 to vector<1024x512xf32>
    %max3A_30 = arith.maximumf %add3A_28, %max3A_29 : vector<1024x512xf32>
    %get3A_31 = arith.constant 0 : index
    %get3A_32 = arith.constant 0 : index
    %get3A_33 = vector.load %arg6[%get3A_31, %get3A_32] : memref<512x4xf32, #tpu.memory_space<vmem>>, vector<512x4xf32>
    %dot_general3A = arith.constant dense<0.000000e+00> : vector<1024x4xf32>
    %dot_general3A_34 = tpu.matmul %max3A_30, %get3A_33, %dot_general3A {dimension_numbers = #tpu.dot_dimension_numbers<[1], [0], [0], [1], [0, 0, 1, 1], [], []>, transpose_lhs_hint = false} : vector<1024x512xf32>, vector<512x4xf32>, vector<1024x4xf32> -> vector<1024x4xf32>
    %get3A_35 = arith.constant 0 : index
    %get3A_36 = arith.constant 0 : index
    %get3A_37 = vector.load %arg7[%get3A_35, %get3A_36] : memref<1x4xf32, #tpu.memory_space<vmem>>, vector<1x4xf32>
    %add3A_38 = vector.broadcast %get3A_37 : vector<1x4xf32> to vector<1024x4xf32>
    %add3A_39 = arith.addf %dot_general3A_34, %add3A_38 : vector<1024x4xf32>
    %swap3A = arith.constant 0 : index
    %swap3A_40 = arith.constant 0 : index
    %swap3A_41 = vector.load %arg8[%swap3A, %swap3A_40] : memref<1024x4xf32, #tpu.memory_space<vmem>>, vector<1024x4xf32>
    tpu.vector_store %arg8[%swap3A, %swap3A_40], %add3A_39 {strides = array<i32>} : memref<1024x4xf32, #tpu.memory_space<vmem>>, vector<1024x4xf32>,
    return
  }
  func.func @transform_0(%arg0: i32) -> (i32, i32) {
    %c0_i32 = arith.constant 0 : i32
    %c0_i32_0 = arith.constant 0 : i32
    return %arg0, %c0_i32 : i32, i32
  }
  func.func @transform_1(%arg0: i32) -> (i32, i32) {
    %c0_i32 = arith.constant 0 : i32
    %c0_i32_0 = arith.constant 0 : i32
    %c0_i32_1 = arith.constant 0 : i32
    return %c0_i32, %c0_i32_0 : i32, i32
  }
  func.func @transform_2(%arg0: i32) -> (i32, i32) {
    %c0_i32 = arith.constant 0 : i32
    %c0_i32_0 = arith.constant 0 : i32
    %c0_i32_1 = arith.constant 0 : i32
    return %c0_i32, %c0_i32_0 : i32, i32
  }
  func.func @transform_3(%arg0: i32) -> (i32, i32) {
    %c0_i32 = arith.constant 0 : i32
    %c0_i32_0 = arith.constant 0 : i32
    %c0_i32_1 = arith.constant 0 : i32
    return %c0_i32, %c0_i32_0 : i32, i32
  }
  func.func @transform_4(%arg0: i32) -> (i32, i32) {
    %c0_i32 = arith.constant 0 : i32
    %c0_i32_0 = arith.constant 0 : i32
    %c0_i32_1 = arith.constant 0 : i32
    return %c0_i32, %c0_i32_0 : i32, i32
  }
  func.func @transform_5(%arg0: i32) -> (i32, i32) {
    %c0_i32 = arith.constant 0 : i32
    %c0_i32_0 = arith.constant 0 : i32
    %c0_i32_1 = arith.constant 0 : i32
    return %c0_i32, %c0_i32_0 : i32, i32
  }
  func.func @transform_6(%arg0: i32) -> (i32, i32) {
    %c0_i32 = arith.constant 0 : i32
    %c0_i32_0 = arith.constant 0 : i32
    %c0_i32_1 = arith.constant 0 : i32
    return %c0_i32, %c0_i32_0 : i32, i32
  }
  func.func @transform_7(%arg0: i32) -> (i32, i32) {
    %c0_i32 = arith.constant 0 : i32
    %c0_i32_0 = arith.constant 0 : i32
    return %arg0, %c0_i32 : i32, i32
  }
}

</mosaic_0001>

<sc_bundles>
// kernel: kernel.6.cloned.1.call-start
scs
__scs_entry_jumppad:
0x0: {  	(pc) =	sbr.rel $0x88, $3  }
0x1: {  	(tag) =	ssettag $0x0;
	lr =	simm.s32 $0x1  }
0x2: {  	[smem:$0x3F90] =	sst lr;
	_ =	strace $0xD0000000  }
0x3: {  	_ = 	snop  }
0x4: {  	_ = 	snop  }
0x5: {  	_ = 	snop  }
0x6: {  	_ = 	snop  }
0x7: {  	_ = 	snop  }
__scs_overlays_trampoline_lowered:
0x8: {  	[smem:$0x3F9F] =	sst s0  }
0x9: {  	[smem:$0x3FA0] =	sst s1  }
0xa: {  	[smem:$0x3FA1] =	sst s2  }
0xb: {  	[smem:$0x3FA2] =	sst s3  }
0xc: {  	[smem:$0x3FA3] =	sst s4  }
0xd: {  	[smem:$0x3FA4] =	sst s5  }
0xe: {  	[smem:$0x3FA5] =	sst s6  }
0xf: {  	[smem:$0x3FA6] =	sst s7  }
0x10: {  	[smem:$0x3FA7] =	sst s8  }
0x11: {  	[smem:$0x3FA8] =	sst s9;
	s0 =	simm.s32 @!p0 $0x0  }
0x12: {  	s1 =	sld [smem:$0x3F8E];
	s0 =	simm.s32 @p0 $0x1  }
0x13: {  	[smem:$0x3FA9] =	sst s0;
	s0 =	simm.s32 @!p1 $0x0  }
0x14: {  	s2 =	sld [smem:$0x3F8D];
	s0 =	simm.s32 @p1 $0x1  }
0x15: {  	[smem:$0x3FAA] =	sst s0;
	s0 =	simm.s32 @!p2 $0x0  }
0x16: {  	s3 =	sld [smem:$0x3FDB];
	s0 =	simm.s32 @p2 $0x1  }
0x17: {  	s4 =	simm.s32 $0x1BF5;
	[smem:$0x3FAC] =	sst s0  }
0x18: {  	s0 =	sld [smem:$0x3F8F];
	_ =	swait.ge [sflag:s4], $0x0  }
0x19: {  	s7 =	sld [smem:$0x3F90]  }
0x1a: {  	s8 =	sadd.s32 $0xFFFFE003, lr  }
0x1b: {  	s9 =	sadd.s32 $0xFFFFFEF7, lr;
	s5 =	simm.s32 $0xFFFFFFFF;
	p2 =	slt.u32 s8, $0xFFFFF086  }
0x1c: {  	p1 =	slt.u32 s9, $0xF7A;
	s5 =	simm.s32 @!p2 $0x0  }
0x1d: {  	s5 =	simm.s32 @p1 $0x1;
	p0 =	seq.s32 s7, s2  }
0x1e: {  	s7 =	smul.u32 @!p0 $0xF7A, s2;
	p2 =	seq.s32 @!p0 s5, $0x0  }
0x1f: {  	s9 =	smul.u32 $0xF7A, s1;
	s8 =	simm.s32 @!p0 $0x1BF5;
	p2 =	por !p2, p0  }
0x20: {  	[sflag:s8] =	ssyncset.s32 @!p0 $0xFFFFF086;
	s6 =	sadd.s32 @!p0 s3, s7;
	s7 =	simm.s32 @!p0 $0x108  }
0x21: {  	s3 =	sadd.s32 s3, s9;
	s6 =	sadd.s32 @!p0 $0x88, s6;
	s7 =	simm.s32 @p2 $0x1082  }
0x22: {  	[simem:s7], [sflag:s8] =	dma.local @!p0 [hbm:s6], $0xF7A  }
0x23: {  	s9 =	sor.u32 $0xD0000000, s2;
	s6 =	simm.s32 $0x108;
	_ =	swait.ge @!p0 [sflag:s8], $0x0  }
0x24: {  	s3 =	sadd.s32 $0x88, s3;
	s6 =	simm.s32 @!p1 $0x1082;
	[sflag:s4] =	ssyncset.s32 $0xFFFFF086  }
0x25: {  	[simem:s6], [sflag:s4] =	dma.local [hbm:s3], $0xF7A  }
0x26: {  	[smem:$0x3F90] =	sst s1;
	(tag) =	ssettag s2;
	_ =	strace s9  }
0x27: {  	s1 =	sld [smem:$0x3FA0]  }
0x28: {  	s2 =	sld [smem:$0x3FA1]  }
0x29: {  	s4 =	sld [smem:$0x3FA3]  }
0x2a: {  	p0 =	seq.s32 s5, $0x0;
	s5 =	sld [smem:$0x3FA4]  }
0x2b: {  	s6 =	sld [smem:$0x3FA5]  }
0x2c: {  	s7 =	sld [smem:$0x3FA6]  }
0x2d: {  	s3 =	simm.s32 $0x108;
	s8 =	sld [smem:$0x3FA7]  }
0x2e: {  	s3 =	simm.s32 @!p0 $0x1082;
	s9 =	sld [smem:$0x3FA8]  }
0x2f: {  	lr =	sadd.s32 s0, s3;
	s0 =	sld [smem:$0x3F9F]  }
0x30: {  	s3 =	sld [smem:$0x3FA2]  }
0x31: {  	[smem:$0x3FAB] =	sst s10  }
0x32: {  	s10 =	sld [smem:$0x3FA9];
	_ =	sdelay $0x3  }
0x33: {  	p0 =	seq.s32 s10, $0x1;
	s10 =	sld [smem:$0x3FAB];
	_ =	sdelay $0x3  }
0x34: {  	[smem:$0x3FAB] =	sst s10  }
0x35: {  	s10 =	sld [smem:$0x3FAA];
	_ =	sdelay $0x3  }
0x36: {  	p1 =	seq.s32 s10, $0x1;
	s10 =	sld [smem:$0x3FAB];
	_ =	sdelay $0x3  }
0x37: {  	[smem:$0x3FAB] =	sst s10  }
0x38: {  	s10 =	sld [smem:$0x3FAC]  }
0x39: {  	_ = 	snop;
	(pc) =	sbr.ind lr, $3  }
0x3a: {  	_ = 	snop  }
0x3b: {  	_ = 	snop  }
0x3c: {  	p2 =	seq.s32 s10, $0x1;
	s10 =	sld [smem:$0x3FAB]  }
0x3d: {  	_ =	shalt  }
0x3e: {  	_ =	shalt  }
0x3f: {  	_ =	shalt  }
0x40: {  	_ =	shalt  }
0x41: {  	_ =	shalt  }
0x42: {  	_ =	shalt  }
0x43: {  	_ =	shalt  }
0x44: {  	_ =	shalt  }
0x45: {  	_ =	shalt  }
0x46: {  	_ =	shalt  }
0x47: {  	_ =	shalt  }
0x48: {  	_ =	shalt  }
0x49: {  	_ =	shalt  }
0x4a: {  	_ =	shalt  }
0x4b: {  	_ =	shalt  }
0x4c: {  	_ =	shalt  }
0x4d: {  	_ =	shalt  }
0x4e: {  	_ =	shalt  }
0x4f: {  	_ =	shalt  }
0x50: {  	_ =	shalt  }
0x51: {  	_ =	shalt  }
0x52: {  	_ =	shalt  }
0x53: {  	_ =	shalt  }
0x54: {  	_ =	shalt  }
0x55: {  	_ =	shalt  }
0x56: {  	_ =	shalt  }
0x57: {  	_ =	shalt  }
0x58: {  	_ =	shalt  }
0x59: {  	_ =	shalt  }
0x5a: {  	_ =	shalt  }
0x5b: {  	_ =	shalt  }
0x5c: {  	_ =	shalt  }
0x5d: {  	_ =	shalt  }
0x5e: {  	_ =	shalt  }
0x5f: {  	_ =	shalt  }
0x60: {  	_ =	shalt  }
0x61: {  	_ =	shalt  }
0x62: {  	_ =	shalt  }
0x63: {  	_ =	shalt  }
0x64: {  	_ =	shalt  }
0x65: {  	_ =	shalt  }
0x66: {  	_ =	shalt  }
0x67: {  	_ =	shalt  }
0x68: {  	_ =	shalt  }
0x69: {  	_ =	shalt  }
0x6a: {  	_ =	shalt  }
0x6b: {  	_ =	shalt  }
0x6c: {  	_ =	shalt  }
0x6d: {  	_ =	shalt  }
0x6e: {  	_ =	shalt  }
0x6f: {  	_ =	shalt  }
0x70: {  	_ =	shalt  }
0x71: {  	_ =	shalt  }
0x72: {  	_ =	shalt  }
0x73: {  	_ =	shalt  }
0x74: {  	_ =	shalt  }
0x75: {  	_ =	shalt  }
0x76: {  	_ =	shalt  }
0x77: {  	_ =	shalt  }
0x78: {  	_ =	shalt  }
0x79: {  	_ =	shalt  }
0x7a: {  	_ =	shalt  }
0x7b: {  	_ =	shalt  }
0x7c: {  	_ =	shalt  }
0x7d: {  	_ =	shalt  }
0x7e: {  	_ =	shalt  }
0x7f: {  	_ =	shalt  }
0x80: {  	_ =	shalt  }
0x81: {  	_ =	shalt  }
0x82: {  	_ =	shalt  }
0x83: {  	_ =	shalt  }
0x84: {  	_ =	shalt  }
0x85: {  	_ =	shalt  }
0x86: {  	_ =	shalt  }
0x87: {  	_ =	shalt  }
.Lfunc_end0:
.L_simem_size_0:
called_computation_lowered:
.L_overlay_start_0:
0x88: {  	s2 =	sld [smem:$0x3FD9]  }
0x89: {  	s3 =	sld [smem:$0x3FFE];
	_ =	sdelay $0x1  }
0x8a: {  	s1 =	srdreg.scid  }
0x8b: {  	s0 =	sand.u32 $0x1, s1  }
0x8c: {  	s16 =	sshll.u32 s0, $0xA;
	s2 =	sadd.s32 s3, s2  }
0x8d: {  	s2 =	sadd.s32 s2, s16  }
0x8e: {  	[smem:$0x3FB7] =	sst s2  }
0x8f: {  	_ = 	snop  }
0x90: {  	(tm) =	ssettm $0x1  }
0x91: {  	s17 =	sld [smem:$0x3FFB];
	_ =	sdelay $0x3  }
0x92: {  	_ =	strace s17  }
0x93: {  	s2 =	sld [smem:$0x3FFC];
	_ =	sdelay $0x3  }
0x94: {  	_ =	strace s2  }
0x95: {  	s2 =	sld [smem:$0x3FFD];
	_ =	sdelay $0x3  }
0x96: {  	_ =	strace s2  }
0x97: {  	_ =	strace $0x8FFFFFFF  }
0x98: {  	s18 =	sld [smem:$0x3FDB];
	_ =	sdelay $0x1  }
0x99: {  	s19 =	simm.s32 $_scs_section_size  }
0x9a: {  	s4 =	simm.s32 $_size__tile_overlayer_lowered;
	s5 =	simm.s32 $_tile_overlayer_lowered  }
0x9b: {  	s22 =	simm.s32 $0x1BFF;
	s21 =	sshll.u32 s5, $0x1;
	s2 =	sadd.s32 s19, s18  }
0x9c: {  	s6 =	simm.s32 $0x0;
	s20 =	sshll.u32 s4, $0x1;
	s4 =	sadd.s32 s21, s2  }
0x9d: {  	[timem:s6], [sflag:s22] =	dma.local [hbm:s4], s20  }
0x9e: {  	_ =	swait.ge [sflag:s22], s20  }
0x9f: {  	s3 =	ssub.s32 $0x0, s20;
	[sflag:s22] =	ssyncset.done $0x0  }
0xa0: {  	[sflag:s22] =	ssyncadd.s32 s3;
	_ =	sdelay $0x1  }
0xa1: {  	s23 =	simm.s32 $0x1B8B  }
0xa2: {  	_ =	swait.ge [sflag:s23], $0x1  }
0xa3: {  	[sflag:s23] =	ssyncset.done $0x0  }
0xa4: {  	s25 =	simm.s32 $0x1B8E;
	s24 =	sld [smem:$0x3FFE];
	[sflag:s23] =	ssyncadd.s32 $0xFFFFFFFF  }
0xa5: {  	s26 =	simm.s32 $execute0_lowered;
	[smem:$0x3FD2] =	sst s25  }
0xa6: {  	s4 =	sshll.u32 s26, $0x1;
	_ =	strace $0x80000046;
	[dreg:$0x1] =	wrdreg $0xFFFFFFFF  }
0xa7: {  	s28 =	simm.s32 $_size_execute0_lowered;
	s2 =	sadd.s32 s2, s4;
	[dreg:$0x0] =	wrdreg $0x0  }
0xa8: {  	s4 =	sshll.u32 s28, $0x1;
	[dreg:$0x2] =	wrdreg s2  }
0xa9: {  	[dreg:$0x3] =	wrdreg s4  }
0xaa: {  	[dreg:$0x4] =	wrdreg $0xC0  }
0xab: {  	_ =	task [dreg:s6], $0x5FFFF  }
0xac: {  	[dreg:$0x1] =	wrdreg $0xFFFFFFFF  }
0xad: {  	[dreg:$0x0] =	wrdreg $0x60  }
0xae: {  	[dreg:$0x2] =	wrdreg s24  }
0xaf: {  	[dreg:$0x3] =	wrdreg $0x9  }
0xb0: {  	_ =	task.clear_ibuf [dreg:s6], $0x4FFFF;
	_ =	strace $0x90000046  }
0xb1: {  	s29 =	simm.s32 $0x9;
	_ =	strace $0x80000048  }
0xb2: {  	_ =	swait.ge [sflag:s29], $0x1  }
0xb3: {  	[sflag:s29] =	ssyncadd.s32 $0xFFFFFFFF  }
0xb4: {  	_ =	strace $0x90000048  }
0xb5: {  	_ =	sfence  }
0xb6: {  	s30 =	sld [smem:$0x0];
	_ =	sdelay $0x2  }
0xb7: {  	s31 =	sshll.u32 s1, $0xD;
	s1 =	sshrl.u32 s1, $0x2  }
0xb8: {  	s3 =	sand.u32 $0x4000, s31;
	s1 =	sadd.s32 s1, s30  }
0xb9: {  	s0 =	sor.u32 s3, s0;
	s1 =	sshll.u32 s1, $0x11  }
0xba: {  	s0 =	sor.u32 s1, s0  }
0xbb: {  	s0 =	sadd.s32 $0x8F2B, s0  }
0xbc: {  	[sflag:s0] =	ssyncadd.remote.s32 $0x1  }
0xbd: {  	_ =	sfence.sel $0xFFFF  }
0xbe: {  	[dreg:$0x0] =	wrdreg $0xFFFFFFFF;
	(pc) =	sbr.abs _section_cstart, $3  }
0xbf: {  	[dreg:$0x1] =	wrdreg $0xFFFFFFFF  }
0xc0: {  	_ =	task.clear_ibuf [dreg:s6], $0x2FFFF;
	_ =	strace $0x9FFFFFFF  }
0xc1: {  	(tm) =	ssettm $0x7FFFFFFF  }
tec
execute0_lowered:
.L_overlay_start_1:
0x0: {  	(tag) =	ssettag $0x1  }
0x1: {  	s4 =	rddreg [dreg:$0x0]  }
0x2: {  	s0 =	rddreg [dreg:$0x1];
	s2 =	simm.s32 $0x0;
	s3 =	srdreg.scid  }
0x3: {  	s1 =	stileid.u32;
	s10 =	simm.s32 $0x20;
	s11 =	simm.s32 $0x340  }
0x4: {  	s12 =	simm.s32 $0x0;
	[smem:$0x7FF] =	sst s2;
	s5 =	sand.u32 $0x1, s3  }
0x5: {  	s6 =	smul.u32 $0xD0000, s1;
	s3 =	sadd.s32 $0x27AEC00, s4;
	s8 =	sshll.u32 s1, $0xA  }
0x6: {  	s7 =	smul.u32 $0x68000, s5;
	s9 =	sshll.u32 s5, $0x9;
	s5 =	ssub.s32 $0x2, s5  }
0x7: {  	_ =	strace $0x80000047;
	s8 =	sor.u32 s9, s8;
	s30 =	sshrl.u32 s5, $0x1  }
0x8: {  	s9 =	simm.s32 $0x1;
	s6 =	sadd.s32 s7, s6;
	s29 =	sshrl.u32 s8, $0x3  }
0x9: {  	s31 =	ssub.s32 s5, s30;
	s8 =	simm.s32 $0x200;
	s6 =	sshrl.u32 s6, $0x3  }
0xa: {  	s7 =	sadd.s32 s29, s4;
	s6 =	sadd.s32 s6, s4;
	s4 =	smax.u32 s31, $0x1  }
0xb: {  	s5 =	sadd.s32 $0xF800, s6;
	s6 =	sadd.s32 $0x2800, s7;
	s7 =	simm.s32 $0x2  }
.LBB2_1:
0xc: {  	[tilespmem:s2], [sflag:$0x2] =	stream.linear.gather [hbm4b:s6+s2], $0x200, $0x38;
	[tilespmem:$0x4200] =	vst v63  }
0xd: {  	_ =	swait.ge [sflag:s7], $0x200  }
0xe: {  	[sflag:s7] =	ssyncset.done $0x0  }
0xf: {  	[sflag:s7] =	ssyncadd.s32 $0xFFFFFE00  }
0x10: {  	[tilespmem:s8], [sflag:$0x1] =	stream.indirect.gather [hbm4b:s3+s8], $0x20, s2, s8, $0xb8;
	[tilespmem:$0x4200] =	vst v63  }
0x11: {  	_ =	swait.ge [sflag:s9], $0x4000  }
0x12: {  	[sflag:s9] =	ssyncset.done $0x0  }
0x13: {  	s13 =	sadd.s32 $0x0, s5;
	[sflag:s9] =	ssyncadd.s32 $0xFFFFC000  }
0x14: {  	[hbm4b:s13+s10] =	stream.strided.scatter [tilespmem:s8], [sflag:$0x2], $0x4000, s11, s10, $0x38;
	[tilespmem:$0x4200] =	vst v63  }
0x15: {  	s14 =	smov.u32 s6;
	_ =	swait.ge [sflag:s7], $0x4000  }
0x16: {  	s15 =	smov.u32 s3;
	s13 =	simm.s32 $0x4;
	[sflag:s7] =	ssyncset.done $0x0  }
.LBB2_2:
0x17: {  	[sflag:s7] =	ssyncadd.s32 $0xFFFFC000  }
0x18: {  	s14 =	sadd.s32 $0x800, s14;
	s15 =	sadd.s32 $0x61A80, s15;
	s16 =	smov.u32 s13  }
0x19: {  	[tilespmem:s2], [sflag:$0x2] =	stream.linear.gather [hbm4b:s14+s2], $0x200, $0x38;
	[tilespmem:$0x4200] =	vst v63  }
0x1a: {  	p0 =	sne.s32 s13, $0x64;
	s13 =	sadd.s32 $0x4, s13;
	_ =	swait.ge [sflag:s7], $0x200  }
0x1b: {  	[sflag:s7] =	ssyncset.done $0x0  }
0x1c: {  	[sflag:s7] =	ssyncadd.s32 $0xFFFFFE00  }
0x1d: {  	[tilespmem:s8], [sflag:$0x1] =	stream.indirect.gather [hbm4b:s15+s8], $0x20, s2, s8, $0xb8;
	[tilespmem:$0x4200] =	vst v63  }
0x1e: {  	_ =	swait.ge [sflag:s9], $0x4000  }
.Ltmp0:
0x1f: {  	[sflag:s9] =	ssyncset.done $0x0;
	(pc) =	sbr.rel @p0 .LBB2_2-.Ltmp0, $4  }
0x20: {  	s16 =	sadd.s32 s16, s5;
	[sflag:s9] =	ssyncadd.s32 $0xFFFFC000  }
0x21: {  	[hbm4b:s16+s10] =	stream.strided.scatter [tilespmem:s8], [sflag:$0x2], $0x4000, s11, s10, $0x38;
	[tilespmem:$0x4200] =	vst v63  }
0x22: {  	_ =	swait.ge [sflag:s7], $0x4000  }
0x23: {  	[sflag:s7] =	ssyncset.done $0x0  }
0x24: {  	s12 =	sadd.s32 $0x1, s12  }
0x25: {  	p0 =	sne.s32 s12, s4  }
.Ltmp1:
0x26: {  	_ = 	snop;
	(pc) =	sbr.rel @p0 .LBB2_1-.Ltmp1, $2  }
0x27: {  	_ =	sdelay $0x2  }
0x28: {  	[sflag:s7] =	ssyncadd.s32 $0xFFFFC000  }
0x29: {  	_ =	sfence.sel $0x180000  }
0x2a: {  	[bflag:$0x0] =	sbarrier.arrive $0xFFFF  }
0x2b: {  	p0 =	sne.s32 s1, $0x0;
	_ =	strace $0x90000047  }
0x2c: {  	s0 =	sadd.s32 @!p0 $0x100000, s0;
	[bflag:$0x2] =	sbarrier.arrive $0xFFFF  }
0x2d: {  	[sflag:s0] =	ssyncadd.tile.s32 @!p0 $0x1;
	_ =	shalt  }
.Lfunc_end2:
_tile_overlayer_lowered:
.L_overlay_start_2:
0x2e: {  	(tag) =	ssettag $0x2  }
0x2f: {  	s0 =	rddreg [dreg:$0x0];
	s2 =	stileid.u32  }
0x30: {  	s1 =	rddreg [dreg:$0x1];
	p0 =	sne.s32 s2, $0x0  }
0x31: {  	s3 =	rddreg [dreg:$0x2];
	[bflag:$0x3] =	sbarrier.arrive $0xFFFF;
	s2 =	simm.s32 @!p0 $0x1C02  }
0x32: {  	[timem:s3], [sflag:s2] =	dma.local @!p0 [hbm:s0], s1  }
0x33: {  	s0 =	simm.s32 @!p0 $0x2  }
0x34: {  	_ =	swait.ge @!p0 [sflag:s0], s1  }
0x35: {  	s1 =	ssub.s32 @!p0 $0x0, s1;
	[sflag:s0] =	ssyncset.done @!p0 $0x0  }
0x36: {  	[sflag:s0] =	ssyncadd.s32 @!p0 s1  }
0x37: {  	[bflag:$0x3] =	sbarrier.arrive $0xFFFF  }
0x38: {  	_ =	shalt  }

</sc_bundles>
